<compile_context>
chip_gen: v7x
topology: tpu7x:2x2x1
jax: 0.10.2.dev20260603
libtpu: 0.0.44.dev20260713+nightly
codegen_flags: <defaults>
</compile_context>

<pallas_src>
import functools

import jax
import jax.numpy as jnp
from jax import lax
from jax.experimental import pallas as pl
from jax.experimental.pallas import tpu as pltpu
from jax.experimental.pallas import tpu_sc as plsc

DIM = 32
GSZ = 256
NBUF = 2


@functools.lru_cache(maxsize=None)
def _build(n_flat, n_pre, n_new, vocab):
    info = plsc.get_sparse_core_info()
    nc, ns, lanes = info.num_cores, info.num_subcores, info.num_lanes
    nw = nc * ns
    assert n_flat % (nw * GSZ) == 0
    per_w = n_flat // nw
    ng = per_w // GSZ
    vpg = GSZ // lanes
    dump = n_flat

    mesh = plsc.VectorSubcoreMesh(core_axis_name="c", subcore_axis_name="s")

    @functools.partial(
        pl.kernel,
        out_type=jax.ShapeDtypeStruct((n_flat + 8, DIM), jnp.float32),
        mesh=mesh,
        compiler_params=pltpu.CompilerParams(use_tc_tiling_on_sc=False),
        scratch_types=[
            pltpu.VMEM((per_w,), jnp.int32),
            pltpu.VMEM((per_w,), jnp.int32),
            pltpu.VMEM((NBUF, GSZ, DIM), jnp.float32),
            pltpu.VMEM((NBUF, GSZ, DIM), jnp.float32),
            pltpu.VMEM_SHARED((vocab,), jnp.int32),
            pltpu.SemaphoreType.DMA,
            pltpu.SemaphoreType.DMA((NBUF,)),
            pltpu.SemaphoreType.DMA((NBUF,)),
            pltpu.SemaphoreType.DMA((NBUF,)),
        ],
    )
    def emb(x_hbm, re_hbm, pre_hbm, new_hbm, out_hbm,
            xv, rv, prebuf, newbuf, re_sp, sem, gsem, asem, bsem):
        c = lax.axis_index("c")
        s = lax.axis_index("s")
        wid = s * nc + c
        base = wid * per_w
        lane = lax.iota(jnp.int32, lanes)

        @pl.when(s == 0)
        def _():
            pltpu.sync_copy(re_hbm, re_sp)

        pltpu.sync_copy(x_hbm.at[wid], xv)
        plsc.subcore_barrier()

        def fire(k, _):
            sl = pl.ds(k * lanes, lanes)
            pltpu.async_copy(re_sp.at[xv[sl]], rv.at[sl], sem)
            return 0

        lax.fori_loop(0, per_w // lanes, fire, 0)
        pltpu.make_async_copy(re_sp.at[pl.ds(0, per_w)], rv, sem).wait()

        def start_g(g, b):
            def one(k, _):
                sl = pl.ds(g * GSZ + k * lanes, lanes)
                r = rv[sl]
                m = r < n_pre
                pvec = jnp.where(m, r, 0)
                nvec = jnp.where(m, 0, r - n_pre)
                dsl = pl.ds(k * lanes, lanes)
                pltpu.async_copy(pre_hbm.at[pvec], prebuf.at[b].at[dsl],
                                 gsem.at[b])
                pltpu.async_copy(new_hbm.at[nvec], newbuf.at[b].at[dsl],
                                 gsem.at[b])
                return 0

            lax.fori_loop(0, vpg, one, 0)

        def wait_g(b):
            pltpu.make_async_copy(
                pre_hbm.at[pl.ds(0, GSZ)], prebuf.at[b], gsem.at[b]).wait()
            pltpu.make_async_copy(
                new_hbm.at[pl.ds(0, GSZ)], newbuf.at[b], gsem.at[b]).wait()

        def start_a(g, b):
            def one(k, _):
                sl = pl.ds(g * GSZ + k * lanes, lanes)
                r = rv[sl]
                gpos = base + g * GSZ + k * lanes + lane
                pos = jnp.where(r < n_pre, gpos, dump)
                dsl = pl.ds(k * lanes, lanes)
                pltpu.async_copy(prebuf.at[b].at[dsl], out_hbm.at[pos],
                                 asem.at[b])
                return 0

            lax.fori_loop(0, vpg, one, 0)

        def wait_a(b):
            pltpu.make_async_copy(
                prebuf.at[b], out_hbm.at[pl.ds(0, GSZ)], asem.at[b]).wait()

        def start_b(g, b):
            def one(k, _):
                sl = pl.ds(g * GSZ + k * lanes, lanes)
                r = rv[sl]
                gpos = base + g * GSZ + k * lanes + lane
                pos = jnp.where(r < n_pre, dump, gpos)
                dsl = pl.ds(k * lanes, lanes)
                pltpu.async_copy(newbuf.at[b].at[dsl], out_hbm.at[pos],
                                 bsem.at[b])
                return 0

            lax.fori_loop(0, vpg, one, 0)

        def wait_b(b):
            pltpu.make_async_copy(
                newbuf.at[b], out_hbm.at[pl.ds(0, GSZ)], bsem.at[b]).wait()

        start_g(0, 0)

        def steady(g, _):
            b = lax.rem(g, NBUF)
            b_n = lax.rem(g + 1, NBUF)

            @pl.when(g >= 1)
            def _():
                wait_a(b_n)
                wait_b(b_n)

            @pl.when(g + 1 < ng)
            def _():
                start_g(g + 1, b_n)

            wait_g(b)
            start_a(g, b)
            start_b(g, b)
            return 0

        lax.fori_loop(0, ng, steady, 0)
        wait_a(lax.rem(ng - 1, NBUF))
        wait_b(lax.rem(ng - 1, NBUF))

    return emb


def kernel(x, reordering, pretrained_weight, new_weight):
    b, l = x.shape
    n_flat = b * l
    n_pre = pretrained_weight.shape[0]
    n_new = new_weight.shape[0]
    vocab = reordering.shape[0]
    emb = _build(n_flat, n_pre, n_new, vocab)
    info = plsc.get_sparse_core_info()
    nw = info.num_cores * info.num_subcores
    xf = x.reshape(nw, n_flat // nw)
    out = emb(xf, reordering, pretrained_weight, new_weight)
    return out[:n_flat].reshape(b, l, DIM)

# --- scband reference (transcript-rebuilt; emitter-appended) ---
"""Pipeline reference for scband-separate-pretrained-embedding-21079699489140 (READ-ONLY COPY).

The authoritative reference and input builder live on the scoring server;
editing this copy changes nothing except your own understanding.
"""

import jax, jax.numpy as jnp
import numpy as np

VOCAB = 1000000
N_PRE = 800000   # tokens found in pretrained embedding dict
N_NEW = VOCAB - N_PRE  # tokens needing new embeddings
DIM = 32
B = 4096
L = 50
FINAL_PAD_IDX = 0  # padding token landed in pretrained table at row 0


def setup_inputs(seed: int = 0) -> dict:
    key = jax.random.key(seed)
    k1, k2, k3, k4 = jax.random.split(key, 4)
    x = jax.random.randint(k1, (B, L), 0, VOCAB, dtype=jnp.int32)
    # reordering buffer: permutation mapping dictionary index -> row in concat([pretrained, new]) table
    reordering = jax.random.permutation(k2, VOCAB).astype(jnp.int32)
    pretrained_weight = jax.random.normal(k3, (N_PRE, DIM), dtype=jnp.float32)
    pretrained_weight = pretrained_weight.at[FINAL_PAD_IDX].set(0.0)  # padding row zeroed at init
    # new_embed uses transformer.Embedding init: normal(0, dim**-0.5), pad row zero
    new_weight = jax.random.normal(k4, (N_NEW, DIM), dtype=jnp.float32) * (DIM ** -0.5)
    return {"x": x, "reordering": reordering, "pretrained_weight": pretrained_weight, "new_weight": new_weight}


def reference(x, reordering, pretrained_weight, new_weight):
    # reordered = F.embedding(x, self.reordering)
    reordered = jnp.take(reordering, x, axis=0)
    # total_embed = torch.cat([pretrained_emb.weight, new_embed.weight], 0)
    total_embed = jnp.concatenate([pretrained_weight, new_weight], axis=0)
    # embed = F.embedding(reordered, total_embed, final_pad_idx)
    embed = jnp.take(total_embed, reordered, axis=0)
    return embed

if __name__ == "__main__":
    import jax
    _d = setup_inputs()
    print(jax.jit(kernel)(*tuple(_d.values())))

</pallas_src>

<mosaic_0001>
#map = affine_map<(d0, d1) -> (0, 0)>
#map1 = affine_map<(d0, d1) -> (0)>
module attributes {stable_mosaic.version = 14 : i64} {
  func.func @emb(%arg0: i32, %arg1: i32, %arg2: memref<32x6400xi32, #tpu.memory_space<hbm>>, %arg3: memref<1000000xi32, #tpu.memory_space<hbm>>, %arg4: memref<800000x32xf32, #tpu.memory_space<hbm>>, %arg5: memref<200000x32xf32, #tpu.memory_space<hbm>>, %arg6: memref<204808x32xf32, #tpu.memory_space<hbm>>, %arg7: memref<6400xi32, #tpu.memory_space<vmem>>, %arg8: memref<6400xi32, #tpu.memory_space<vmem>>, %arg9: memref<2x256x32xf32, #tpu.memory_space<vmem>>, %arg10: memref<2x256x32xf32, #tpu.memory_space<vmem>>, %arg11: memref<1000000xi32, #tpu.memory_space<vmem_shared>>, %arg12: memref<!tpu.dma_semaphore, #tpu.memory_space<semaphore_mem>>, %arg13: memref<2x!tpu.dma_semaphore, #tpu.memory_space<semaphore_mem>>, %arg14: memref<2x!tpu.dma_semaphore, #tpu.memory_space<semaphore_mem>>, %arg15: memref<2x!tpu.dma_semaphore, #tpu.memory_space<semaphore_mem>>) attributes {dimension_semantics = [#tpu.dimension_semantics<core_parallel>, #tpu.dimension_semantics<subcore_parallel>], iteration_bounds = array<i64: 2, 16>, scalar_prefetch = 0 : i64, scratch_operands = 9 : i64, tpu.core_type = #tpu.core_type<sc_vector_subcore>, window_params = [{transform_indices = #map}, {transform_indices = #map1}, {transform_indices = #map}, {transform_indices = #map}, {transform_indices = #map}]} {
    %mul3A = arith.constant 2 : i32
    %mul3A_0 = arith.muli %arg1, %mul3A : i32
    %add3A = arith.addi %mul3A_0, %arg0 : i32
    %mul3A_1 = arith.constant 6400 : i32
    %mul3A_2 = arith.muli %add3A, %mul3A_1 : i32
    %iota3A = tpu.iota {dimensions = array<i32: 0>} : vector<16xi32>
    %eq3A = arith.constant 0 : i32
    %eq3A_3 = arith.cmpi eq, %arg1, %eq3A : i32
    %convert_element_type3A = arith.extui %eq3A_3 : i1 to i32
    %cond3A = arith.constant 0 : i32
    %cond3A_4 = arith.cmpi ne, %convert_element_type3A, %cond3A : i32
    scf.if %cond3A_4 {
      "tpu.region"() ({
        %run_scoped3A = tpu.sem_alloc : memref<!tpu.dma_semaphore, #tpu.memory_space<semaphore_mem>>
        tpu.enqueue_dma source(%arg3 : memref<1000000xi32, #tpu.memory_space<hbm>>) target(%arg11 : memref<1000000xi32, #tpu.memory_space<vmem_shared>>) target_semaphore(%run_scoped3A : memref<!tpu.dma_semaphore, #tpu.memory_space<semaphore_mem>>)
        tpu.wait_dma2 semaphore(%run_scoped3A : memref<!tpu.dma_semaphore, #tpu.memory_space<semaphore_mem>>) src(%arg3 : memref<1000000xi32, #tpu.memory_space<hbm>>) dst(%arg11 : memref<1000000xi32, #tpu.memory_space<vmem_shared>>)
        tpu.yield
      }) : () -> ()
    } else {
    }
    "tpu.region"() ({
      %run_scoped3A = tpu.sem_alloc : memref<!tpu.dma_semaphore, #tpu.memory_space<semaphore_mem>>
      %dma_start3A = arith.constant 0 : i32
      %dma_start3A_65 = tpu.memref_slice %arg2[%add3A, %dma_start3A] : memref<32x6400xi32, #tpu.memory_space<hbm>> -> memref<1x6400xi32, #tpu.memory_space<hbm>>
      %dma_start3A_66 = tpu.memref_squeeze %dma_start3A_65 : memref<1x6400xi32, #tpu.memory_space<hbm>> -> memref<6400xi32, #tpu.memory_space<hbm>>
      %dma_start3A_67 = arith.constant 0 : i32
      %dma_start3A_68 = tpu.memref_slice %arg2[%add3A, %dma_start3A_67] : memref<32x6400xi32, #tpu.memory_space<hbm>> -> memref<1x6400xi32, #tpu.memory_space<hbm>>
      %dma_start3A_69 = tpu.memref_squeeze %dma_start3A_68 : memref<1x6400xi32, #tpu.memory_space<hbm>> -> memref<6400xi32, #tpu.memory_space<hbm>>
      tpu.enqueue_dma source(%dma_start3A_69 : memref<6400xi32, #tpu.memory_space<hbm>>) target(%arg7 : memref<6400xi32, #tpu.memory_space<vmem>>) target_semaphore(%run_scoped3A : memref<!tpu.dma_semaphore, #tpu.memory_space<semaphore_mem>>)
      %dma_wait3A_70 = arith.constant 0 : i32
      %dma_wait3A_71 = tpu.memref_slice %arg2[%add3A, %dma_wait3A_70] : memref<32x6400xi32, #tpu.memory_space<hbm>> -> memref<1x6400xi32, #tpu.memory_space<hbm>>
      %dma_wait3A_72 = tpu.memref_squeeze %dma_wait3A_71 : memref<1x6400xi32, #tpu.memory_space<hbm>> -> memref<6400xi32, #tpu.memory_space<hbm>>
      %dma_wait3A_73 = arith.constant 0 : i32
      %dma_wait3A_74 = tpu.memref_slice %arg2[%add3A, %dma_wait3A_73] : memref<32x6400xi32, #tpu.memory_space<hbm>> -> memref<1x6400xi32, #tpu.memory_space<hbm>>
      %dma_wait3A_75 = tpu.memref_squeeze %dma_wait3A_74 : memref<1x6400xi32, #tpu.memory_space<hbm>> -> memref<6400xi32, #tpu.memory_space<hbm>>
      tpu.wait_dma2 semaphore(%run_scoped3A : memref<!tpu.dma_semaphore, #tpu.memory_space<semaphore_mem>>) src(%dma_wait3A_75 : memref<6400xi32, #tpu.memory_space<hbm>>) dst(%arg7 : memref<6400xi32, #tpu.memory_space<vmem>>)
      tpu.yield
    }) : () -> ()
    %barrier3A = arith.constant 0 : index
    tpu.barrier barrier_id(%barrier3A)
    %scan3A = arith.constant 0 : i32
    %scan3A_5 = arith.constant 0 : i32
    %scan3A_6 = arith.constant 400 : i32
    %scan3A_7 = arith.addi %scan3A_5, %scan3A_6 : i32
    %scan3A_8 = arith.constant 1 : i32
    %scan3A_9 = scf.for %scan3A_65 = %scan3A_5 to %scan3A_7 step %scan3A_8 iter_args(%scan3A_66 = %scan3A) -> (i32)  : i32 {
      %mul3A_67 = arith.constant 16 : i32
      %mul3A_68 = arith.muli %scan3A_65, %mul3A_67 : i32
      %get3A = arith.index_cast %mul3A_68 : i32 to index
      %get3A_69 = tpu.vector_load %arg7[%get3A] {strides = array<i32>} : memref<6400xi32, #tpu.memory_space<vmem>>, vector<16xi32>,
      %get3A_70 = vector.shape_cast %get3A_69 : vector<16xi32> to vector<16xi32>
      %dma_start3A = tpu.memref_slice %arg8[%mul3A_68] : memref<6400xi32, #tpu.memory_space<vmem>> -> memref<16xi32, #tpu.memory_space<vmem>>
      %dma_start3A_71 = arith.constant 0 : i32
      %dma_start3A_72 = tpu.memref_slice %arg11[%dma_start3A_71] : memref<1000000xi32, #tpu.memory_space<vmem_shared>> -> memref<1000000xi32, #tpu.memory_space<vmem_shared>>
      tpu.enqueue_indirect_dma source(%dma_start3A_72 : memref<1000000xi32, #tpu.memory_space<vmem_shared>>) target(%dma_start3A : memref<16xi32, #tpu.memory_space<vmem>>) offsets(%get3A_70 : vector<16xi32>) semaphore(%arg12 : memref<!tpu.dma_semaphore, #tpu.memory_space<semaphore_mem>>)
      %scan3A_73 = arith.constant 0 : i32
      scf.yield %scan3A_73 : i32
    }
    %scan3A_10 = arith.constant 400 : i32
    %dma_wait3A = arith.constant 0 : i32
    %dma_wait3A_11 = tpu.memref_slice %arg11[%dma_wait3A] : memref<1000000xi32, #tpu.memory_space<vmem_shared>> -> memref<6400xi32, #tpu.memory_space<vmem_shared>>
    %dma_wait3A_12 = arith.constant 0 : i32
    %dma_wait3A_13 = tpu.memref_slice %arg11[%dma_wait3A_12] : memref<1000000xi32, #tpu.memory_space<vmem_shared>> -> memref<6400xi32, #tpu.memory_space<vmem_shared>>
    tpu.wait_dma2 semaphore(%arg12 : memref<!tpu.dma_semaphore, #tpu.memory_space<semaphore_mem>>) src(%dma_wait3A_13 : memref<6400xi32, #tpu.memory_space<vmem_shared>>) dst(%arg8 : memref<6400xi32, #tpu.memory_space<vmem>>)
    %scan3A_14 = arith.constant 0 : i32
    %scan3A_15 = arith.constant 0 : i32
    %scan3A_16 = arith.constant 16 : i32
    %scan3A_17 = arith.addi %scan3A_15, %scan3A_16 : i32
    %scan3A_18 = arith.constant 1 : i32
    %scan3A_19 = scf.for %scan3A_65 = %scan3A_15 to %scan3A_17 step %scan3A_18 iter_args(%scan3A_66 = %scan3A_14) -> (i32)  : i32 {
      %mul3A_67 = arith.constant 16 : i32
      %mul3A_68 = arith.muli %scan3A_65, %mul3A_67 : i32
      %add3A_69 = arith.constant 0 : i32
      %add3A_70 = arith.addi %add3A_69, %mul3A_68 : i32
      %get3A = arith.index_cast %add3A_70 : i32 to index
      %get3A_71 = tpu.vector_load %arg8[%get3A] {strides = array<i32>} : memref<6400xi32, #tpu.memory_space<vmem>>, vector<16xi32>,
      %get3A_72 = vector.shape_cast %get3A_71 : vector<16xi32> to vector<16xi32>
      %lt3A = arith.constant 800000 : i32
      %lt3A_73 = vector.broadcast %lt3A : i32 to vector<16xi32>
      %lt3A_74 = arith.cmpi slt, %get3A_72, %lt3A_73 : vector<16xi32>
      %jit3A = arith.constant 0 : i32
      %broadcast_in_dim3A = vector.broadcast %jit3A : i32 to vector<16xi32>
      %select_n3A = arith.select %lt3A_74, %get3A_72, %broadcast_in_dim3A : vector<16xi1>, vector<16xi32>
      %sub3A = arith.constant 800000 : i32
      %sub3A_75 = vector.broadcast %sub3A : i32 to vector<16xi32>
      %sub3A_76 = arith.subi %get3A_72, %sub3A_75 : vector<16xi32>
      %jit3A_77 = arith.constant 0 : i32
      %broadcast_in_dim3A_78 = vector.broadcast %jit3A_77 : i32 to vector<16xi32>
      %select_n3A_79 = arith.select %lt3A_74, %broadcast_in_dim3A_78, %sub3A_76 : vector<16xi1>, vector<16xi32>
      %mul3A_80 = arith.constant 16 : i32
      %mul3A_81 = arith.muli %scan3A_65, %mul3A_80 : i32
      %dma_start3A = arith.constant 0 : i32
      %dma_start3A_82 = arith.constant 0 : i32
      %dma_start3A_83 = arith.constant 0 : i32
      %dma_start3A_84 = arith.constant 0 : i32
      %dma_start3A_85 = tpu.memref_slice %arg9[%dma_start3A, %dma_start3A_83, %dma_start3A_84] : memref<2x256x32xf32, #tpu.memory_space<vmem>> -> memref<1x256x32xf32, #tpu.memory_space<vmem>>
      %dma_start3A_86 = tpu.memref_squeeze %dma_start3A_85 : memref<1x256x32xf32, #tpu.memory_space<vmem>> -> memref<256x32xf32, #tpu.memory_space<vmem>>
      %dma_start3A_87 = arith.constant 0 : i32
      %dma_start3A_88 = tpu.memref_slice %dma_start3A_86[%mul3A_81, %dma_start3A_87] : memref<256x32xf32, #tpu.memory_space<vmem>> -> memref<16x32xf32, #tpu.memory_space<vmem>>
      %dma_start3A_89 = arith.constant 0 : i32
      %dma_start3A_90 = arith.constant 0 : i32
      %dma_start3A_91 = tpu.memref_slice %arg4[%dma_start3A_89, %dma_start3A_90] : memref<800000x32xf32, #tpu.memory_space<hbm>> -> memref<800000x32xf32, #tpu.memory_space<hbm>>
      %dma_start3A_92 = tpu.memref_slice %arg13[%dma_start3A_82] : memref<2x!tpu.dma_semaphore, #tpu.memory_space<semaphore_mem>> -> memref<1x!tpu.dma_semaphore, #tpu.memory_space<semaphore_mem>>
      %dma_start3A_93 = tpu.memref_squeeze %dma_start3A_92 : memref<1x!tpu.dma_semaphore, #tpu.memory_space<semaphore_mem>> -> memref<!tpu.dma_semaphore, #tpu.memory_space<semaphore_mem>>
      tpu.enqueue_indirect_dma source(%dma_start3A_91 : memref<800000x32xf32, #tpu.memory_space<hbm>>) target(%dma_start3A_88 : memref<16x32xf32, #tpu.memory_space<vmem>>) offsets(%select_n3A : vector<16xi32>) semaphore(%dma_start3A_93 : memref<!tpu.dma_semaphore, #tpu.memory_space<semaphore_mem>>)
      %dma_start3A_94 = arith.constant 0 : i32
      %dma_start3A_95 = arith.constant 0 : i32
      %dma_start3A_96 = arith.constant 0 : i32
      %dma_start3A_97 = arith.constant 0 : i32
      %dma_start3A_98 = tpu.memref_slice %arg10[%dma_start3A_94, %dma_start3A_96, %dma_start3A_97] : memref<2x256x32xf32, #tpu.memory_space<vmem>> -> memref<1x256x32xf32, #tpu.memory_space<vmem>>
      %dma_start3A_99 = tpu.memref_squeeze %dma_start3A_98 : memref<1x256x32xf32, #tpu.memory_space<vmem>> -> memref<256x32xf32, #tpu.memory_space<vmem>>
      %dma_start3A_100 = arith.constant 0 : i32
      %dma_start3A_101 = tpu.memref_slice %dma_start3A_99[%mul3A_81, %dma_start3A_100] : memref<256x32xf32, #tpu.memory_space<vmem>> -> memref<16x32xf32, #tpu.memory_space<vmem>>
      %dma_start3A_102 = arith.constant 0 : i32
      %dma_start3A_103 = arith.constant 0 : i32
      %dma_start3A_104 = tpu.memref_slice %arg5[%dma_start3A_102, %dma_start3A_103] : memref<200000x32xf32, #tpu.memory_space<hbm>> -> memref<200000x32xf32, #tpu.memory_space<hbm>>
      %dma_start3A_105 = tpu.memref_slice %arg13[%dma_start3A_95] : memref<2x!tpu.dma_semaphore, #tpu.memory_space<semaphore_mem>> -> memref<1x!tpu.dma_semaphore, #tpu.memory_space<semaphore_mem>>
      %dma_start3A_106 = tpu.memref_squeeze %dma_start3A_105 : memref<1x!tpu.dma_semaphore, #tpu.memory_space<semaphore_mem>> -> memref<!tpu.dma_semaphore, #tpu.memory_space<semaphore_mem>>
      tpu.enqueue_indirect_dma source(%dma_start3A_104 : memref<200000x32xf32, #tpu.memory_space<hbm>>) target(%dma_start3A_101 : memref<16x32xf32, #tpu.memory_space<vmem>>) offsets(%select_n3A_79 : vector<16xi32>) semaphore(%dma_start3A_106 : memref<!tpu.dma_semaphore, #tpu.memory_space<semaphore_mem>>)
      %scan3A_107 = arith.constant 0 : i32
      scf.yield %scan3A_107 : i32
    }
    %scan3A_20 = arith.constant 16 : i32
    %scan3A_21 = arith.constant 0 : i32
    %scan3A_22 = arith.constant 0 : i32
    %scan3A_23 = arith.constant 25 : i32
    %scan3A_24 = arith.addi %scan3A_22, %scan3A_23 : i32
    %scan3A_25 = arith.constant 1 : i32
    %scan3A_26 = scf.for %scan3A_65 = %scan3A_22 to %scan3A_24 step %scan3A_25 iter_args(%scan3A_66 = %scan3A_21) -> (i32)  : i32 {
      %rem3A_67 = arith.constant 2 : i32
      %rem3A_68 = arith.remsi %scan3A_65, %rem3A_67 : i32
      %add3A_69 = arith.constant 1 : i32
      %add3A_70 = arith.addi %scan3A_65, %add3A_69 : i32
      %rem3A_71 = arith.constant 2 : i32
      %rem3A_72 = arith.remsi %add3A_70, %rem3A_71 : i32
      %ge3A = arith.constant 1 : i32
      %ge3A_73 = arith.cmpi sge, %scan3A_65, %ge3A : i32
      %convert_element_type3A_74 = arith.extui %ge3A_73 : i1 to i32
      %cond3A_75 = arith.constant 0 : i32
      %cond3A_76 = arith.cmpi ne, %convert_element_type3A_74, %cond3A_75 : i32
      scf.if %cond3A_76 {
        %dma_wait3A_130 = arith.constant 0 : i32
        %dma_wait3A_131 = arith.constant 0 : i32
        %dma_wait3A_132 = tpu.memref_slice %arg9[%rem3A_72, %dma_wait3A_130, %dma_wait3A_131] : memref<2x256x32xf32, #tpu.memory_space<vmem>> -> memref<1x256x32xf32, #tpu.memory_space<vmem>>
        %dma_wait3A_133 = tpu.memref_squeeze %dma_wait3A_132 : memref<1x256x32xf32, #tpu.memory_space<vmem>> -> memref<256x32xf32, #tpu.memory_space<vmem>>
        %dma_wait3A_134 = arith.constant 0 : i32
        %dma_wait3A_135 = arith.constant 0 : i32
        %dma_wait3A_136 = tpu.memref_slice %arg6[%dma_wait3A_134, %dma_wait3A_135] : memref<204808x32xf32, #tpu.memory_space<hbm>> -> memref<256x32xf32, #tpu.memory_space<hbm>>
        %dma_wait3A_137 = tpu.memref_slice %arg14[%rem3A_72] : memref<2x!tpu.dma_semaphore, #tpu.memory_space<semaphore_mem>> -> memref<1x!tpu.dma_semaphore, #tpu.memory_space<semaphore_mem>>
        %dma_wait3A_138 = tpu.memref_squeeze %dma_wait3A_137 : memref<1x!tpu.dma_semaphore, #tpu.memory_space<semaphore_mem>> -> memref<!tpu.dma_semaphore, #tpu.memory_space<semaphore_mem>>
        %dma_wait3A_139 = arith.constant 0 : i32
        %dma_wait3A_140 = arith.constant 0 : i32
        %dma_wait3A_141 = tpu.memref_slice %arg6[%dma_wait3A_139, %dma_wait3A_140] : memref<204808x32xf32, #tpu.memory_space<hbm>> -> memref<256x32xf32, #tpu.memory_space<hbm>>
        %dma_wait3A_142 = arith.constant 0 : i32
        %dma_wait3A_143 = arith.constant 0 : i32
        %dma_wait3A_144 = tpu.memref_slice %arg9[%rem3A_72, %dma_wait3A_142, %dma_wait3A_143] : memref<2x256x32xf32, #tpu.memory_space<vmem>> -> memref<1x256x32xf32, #tpu.memory_space<vmem>>
        %dma_wait3A_145 = tpu.memref_squeeze %dma_wait3A_144 : memref<1x256x32xf32, #tpu.memory_space<vmem>> -> memref<256x32xf32, #tpu.memory_space<vmem>>
        tpu.wait_dma2 semaphore(%dma_wait3A_138 : memref<!tpu.dma_semaphore, #tpu.memory_space<semaphore_mem>>) src(%dma_wait3A_145 : memref<256x32xf32, #tpu.memory_space<vmem>>) dst(%dma_wait3A_141 : memref<256x32xf32, #tpu.memory_space<hbm>>)
        %dma_wait3A_146 = arith.constant 0 : i32
        %dma_wait3A_147 = arith.constant 0 : i32
        %dma_wait3A_148 = tpu.memref_slice %arg10[%rem3A_72, %dma_wait3A_146, %dma_wait3A_147] : memref<2x256x32xf32, #tpu.memory_space<vmem>> -> memref<1x256x32xf32, #tpu.memory_space<vmem>>
        %dma_wait3A_149 = tpu.memref_squeeze %dma_wait3A_148 : memref<1x256x32xf32, #tpu.memory_space<vmem>> -> memref<256x32xf32, #tpu.memory_space<vmem>>
        %dma_wait3A_150 = arith.constant 0 : i32
        %dma_wait3A_151 = arith.constant 0 : i32
        %dma_wait3A_152 = tpu.memref_slice %arg6[%dma_wait3A_150, %dma_wait3A_151] : memref<204808x32xf32, #tpu.memory_space<hbm>> -> memref<256x32xf32, #tpu.memory_space<hbm>>
        %dma_wait3A_153 = tpu.memref_slice %arg15[%rem3A_72] : memref<2x!tpu.dma_semaphore, #tpu.memory_space<semaphore_mem>> -> memref<1x!tpu.dma_semaphore, #tpu.memory_space<semaphore_mem>>
        %dma_wait3A_154 = tpu.memref_squeeze %dma_wait3A_153 : memref<1x!tpu.dma_semaphore, #tpu.memory_space<semaphore_mem>> -> memref<!tpu.dma_semaphore, #tpu.memory_space<semaphore_mem>>
        %dma_wait3A_155 = arith.constant 0 : i32
        %dma_wait3A_156 = arith.constant 0 : i32
        %dma_wait3A_157 = tpu.memref_slice %arg6[%dma_wait3A_155, %dma_wait3A_156] : memref<204808x32xf32, #tpu.memory_space<hbm>> -> memref<256x32xf32, #tpu.memory_space<hbm>>
        %dma_wait3A_158 = arith.constant 0 : i32
        %dma_wait3A_159 = arith.constant 0 : i32
        %dma_wait3A_160 = tpu.memref_slice %arg10[%rem3A_72, %dma_wait3A_158, %dma_wait3A_159] : memref<2x256x32xf32, #tpu.memory_space<vmem>> -> memref<1x256x32xf32, #tpu.memory_space<vmem>>
        %dma_wait3A_161 = tpu.memref_squeeze %dma_wait3A_160 : memref<1x256x32xf32, #tpu.memory_space<vmem>> -> memref<256x32xf32, #tpu.memory_space<vmem>>
        tpu.wait_dma2 semaphore(%dma_wait3A_154 : memref<!tpu.dma_semaphore, #tpu.memory_space<semaphore_mem>>) src(%dma_wait3A_161 : memref<256x32xf32, #tpu.memory_space<vmem>>) dst(%dma_wait3A_157 : memref<256x32xf32, #tpu.memory_space<hbm>>)
      } else {
      }
      %add3A_77 = arith.constant 1 : i32
      %add3A_78 = arith.addi %scan3A_65, %add3A_77 : i32
      %lt3A = arith.constant 25 : i32
      %lt3A_79 = arith.cmpi slt, %add3A_78, %lt3A : i32
      %convert_element_type3A_80 = arith.extui %lt3A_79 : i1 to i32
      %cond3A_81 = arith.constant 0 : i32
      %cond3A_82 = arith.cmpi ne, %convert_element_type3A_80, %cond3A_81 : i32
      scf.if %cond3A_82 {
        %add3A_130 = arith.constant 1 : i32
        %add3A_131 = arith.addi %scan3A_65, %add3A_130 : i32
        %scan3A_132 = arith.constant 0 : i32
        %scan3A_133 = arith.constant 0 : i32
        %scan3A_134 = arith.constant 16 : i32
        %scan3A_135 = arith.addi %scan3A_133, %scan3A_134 : i32
        %scan3A_136 = arith.constant 1 : i32
        %scan3A_137 = scf.for %scan3A_139 = %scan3A_133 to %scan3A_135 step %scan3A_136 iter_args(%scan3A_140 = %scan3A_132) -> (i32)  : i32 {
          %mul3A_141 = arith.constant 256 : i32
          %mul3A_142 = arith.muli %add3A_131, %mul3A_141 : i32
          %mul3A_143 = arith.constant 16 : i32
          %mul3A_144 = arith.muli %scan3A_139, %mul3A_143 : i32
          %add3A_145 = arith.addi %mul3A_142, %mul3A_144 : i32
          %get3A = arith.index_cast %add3A_145 : i32 to index
          %get3A_146 = tpu.vector_load %arg8[%get3A] {strides = array<i32>} : memref<6400xi32, #tpu.memory_space<vmem>>, vector<16xi32>,
          %get3A_147 = vector.shape_cast %get3A_146 : vector<16xi32> to vector<16xi32>
          %lt3A_148 = arith.constant 800000 : i32
          %lt3A_149 = vector.broadcast %lt3A_148 : i32 to vector<16xi32>
          %lt3A_150 = arith.cmpi slt, %get3A_147, %lt3A_149 : vector<16xi32>
          %jit3A = arith.constant 0 : i32
          %broadcast_in_dim3A = vector.broadcast %jit3A : i32 to vector<16xi32>
          %select_n3A = arith.select %lt3A_150, %get3A_147, %broadcast_in_dim3A : vector<16xi1>, vector<16xi32>
          %sub3A = arith.constant 800000 : i32
          %sub3A_151 = vector.broadcast %sub3A : i32 to vector<16xi32>
          %sub3A_152 = arith.subi %get3A_147, %sub3A_151 : vector<16xi32>
          %jit3A_153 = arith.constant 0 : i32
          %broadcast_in_dim3A_154 = vector.broadcast %jit3A_153 : i32 to vector<16xi32>
          %select_n3A_155 = arith.select %lt3A_150, %broadcast_in_dim3A_154, %sub3A_152 : vector<16xi1>, vector<16xi32>
          %mul3A_156 = arith.constant 16 : i32
          %mul3A_157 = arith.muli %scan3A_139, %mul3A_156 : i32
          %dma_start3A = arith.constant 0 : i32
          %dma_start3A_158 = arith.constant 0 : i32
          %dma_start3A_159 = tpu.memref_slice %arg9[%rem3A_72, %dma_start3A, %dma_start3A_158] : memref<2x256x32xf32, #tpu.memory_space<vmem>> -> memref<1x256x32xf32, #tpu.memory_space<vmem>>
          %dma_start3A_160 = tpu.memref_squeeze %dma_start3A_159 : memref<1x256x32xf32, #tpu.memory_space<vmem>> -> memref<256x32xf32, #tpu.memory_space<vmem>>
          %dma_start3A_161 = arith.constant 0 : i32
          %dma_start3A_162 = tpu.memref_slice %dma_start3A_160[%mul3A_157, %dma_start3A_161] : memref<256x32xf32, #tpu.memory_space<vmem>> -> memref<16x32xf32, #tpu.memory_space<vmem>>
          %dma_start3A_163 = arith.constant 0 : i32
          %dma_start3A_164 = arith.constant 0 : i32
          %dma_start3A_165 = tpu.memref_slice %arg4[%dma_start3A_163, %dma_start3A_164] : memref<800000x32xf32, #tpu.memory_space<hbm>> -> memref<800000x32xf32, #tpu.memory_space<hbm>>
          %dma_start3A_166 = tpu.memref_slice %arg13[%rem3A_72] : memref<2x!tpu.dma_semaphore, #tpu.memory_space<semaphore_mem>> -> memref<1x!tpu.dma_semaphore, #tpu.memory_space<semaphore_mem>>
          %dma_start3A_167 = tpu.memref_squeeze %dma_start3A_166 : memref<1x!tpu.dma_semaphore, #tpu.memory_space<semaphore_mem>> -> memref<!tpu.dma_semaphore, #tpu.memory_space<semaphore_mem>>
          tpu.enqueue_indirect_dma source(%dma_start3A_165 : memref<800000x32xf32, #tpu.memory_space<hbm>>) target(%dma_start3A_162 : memref<16x32xf32, #tpu.memory_space<vmem>>) offsets(%select_n3A : vector<16xi32>) semaphore(%dma_start3A_167 : memref<!tpu.dma_semaphore, #tpu.memory_space<semaphore_mem>>)
          %dma_start3A_168 = arith.constant 0 : i32
          %dma_start3A_169 = arith.constant 0 : i32
          %dma_start3A_170 = tpu.memref_slice %arg10[%rem3A_72, %dma_start3A_168, %dma_start3A_169] : memref<2x256x32xf32, #tpu.memory_space<vmem>> -> memref<1x256x32xf32, #tpu.memory_space<vmem>>
          %dma_start3A_171 = tpu.memref_squeeze %dma_start3A_170 : memref<1x256x32xf32, #tpu.memory_space<vmem>> -> memref<256x32xf32, #tpu.memory_space<vmem>>
          %dma_start3A_172 = arith.constant 0 : i32
          %dma_start3A_173 = tpu.memref_slice %dma_start3A_171[%mul3A_157, %dma_start3A_172] : memref<256x32xf32, #tpu.memory_space<vmem>> -> memref<16x32xf32, #tpu.memory_space<vmem>>
          %dma_start3A_174 = arith.constant 0 : i32
          %dma_start3A_175 = arith.constant 0 : i32
          %dma_start3A_176 = tpu.memref_slice %arg5[%dma_start3A_174, %dma_start3A_175] : memref<200000x32xf32, #tpu.memory_space<hbm>> -> memref<200000x32xf32, #tpu.memory_space<hbm>>
          %dma_start3A_177 = tpu.memref_slice %arg13[%rem3A_72] : memref<2x!tpu.dma_semaphore, #tpu.memory_space<semaphore_mem>> -> memref<1x!tpu.dma_semaphore, #tpu.memory_space<semaphore_mem>>
          %dma_start3A_178 = tpu.memref_squeeze %dma_start3A_177 : memref<1x!tpu.dma_semaphore, #tpu.memory_space<semaphore_mem>> -> memref<!tpu.dma_semaphore, #tpu.memory_space<semaphore_mem>>
          tpu.enqueue_indirect_dma source(%dma_start3A_176 : memref<200000x32xf32, #tpu.memory_space<hbm>>) target(%dma_start3A_173 : memref<16x32xf32, #tpu.memory_space<vmem>>) offsets(%select_n3A_155 : vector<16xi32>) semaphore(%dma_start3A_178 : memref<!tpu.dma_semaphore, #tpu.memory_space<semaphore_mem>>)
          %scan3A_179 = arith.constant 0 : i32
          scf.yield %scan3A_179 : i32
        }
        %scan3A_138 = arith.constant 16 : i32
      } else {
      }
      %dma_wait3A_83 = arith.constant 0 : i32
      %dma_wait3A_84 = arith.constant 0 : i32
      %dma_wait3A_85 = tpu.memref_slice %arg9[%rem3A_68, %dma_wait3A_83, %dma_wait3A_84] : memref<2x256x32xf32, #tpu.memory_space<vmem>> -> memref<1x256x32xf32, #tpu.memory_space<vmem>>
      %dma_wait3A_86 = tpu.memref_squeeze %dma_wait3A_85 : memref<1x256x32xf32, #tpu.memory_space<vmem>> -> memref<256x32xf32, #tpu.memory_space<vmem>>
      %dma_wait3A_87 = arith.constant 0 : i32
      %dma_wait3A_88 = arith.constant 0 : i32
      %dma_wait3A_89 = tpu.memref_slice %arg4[%dma_wait3A_87, %dma_wait3A_88] : memref<800000x32xf32, #tpu.memory_space<hbm>> -> memref<256x32xf32, #tpu.memory_space<hbm>>
      %dma_wait3A_90 = tpu.memref_slice %arg13[%rem3A_68] : memref<2x!tpu.dma_semaphore, #tpu.memory_space<semaphore_mem>> -> memref<1x!tpu.dma_semaphore, #tpu.memory_space<semaphore_mem>>
      %dma_wait3A_91 = tpu.memref_squeeze %dma_wait3A_90 : memref<1x!tpu.dma_semaphore, #tpu.memory_space<semaphore_mem>> -> memref<!tpu.dma_semaphore, #tpu.memory_space<semaphore_mem>>
      %dma_wait3A_92 = arith.constant 0 : i32
      %dma_wait3A_93 = arith.constant 0 : i32
      %dma_wait3A_94 = tpu.memref_slice %arg9[%rem3A_68, %dma_wait3A_92, %dma_wait3A_93] : memref<2x256x32xf32, #tpu.memory_space<vmem>> -> memref<1x256x32xf32, #tpu.memory_space<vmem>>
      %dma_wait3A_95 = tpu.memref_squeeze %dma_wait3A_94 : memref<1x256x32xf32, #tpu.memory_space<vmem>> -> memref<256x32xf32, #tpu.memory_space<vmem>>
      %dma_wait3A_96 = arith.constant 0 : i32
      %dma_wait3A_97 = arith.constant 0 : i32
      %dma_wait3A_98 = tpu.memref_slice %arg4[%dma_wait3A_96, %dma_wait3A_97] : memref<800000x32xf32, #tpu.memory_space<hbm>> -> memref<256x32xf32, #tpu.memory_space<hbm>>
      tpu.wait_dma2 semaphore(%dma_wait3A_91 : memref<!tpu.dma_semaphore, #tpu.memory_space<semaphore_mem>>) src(%dma_wait3A_98 : memref<256x32xf32, #tpu.memory_space<hbm>>) dst(%dma_wait3A_95 : memref<256x32xf32, #tpu.memory_space<vmem>>)
      %dma_wait3A_99 = arith.constant 0 : i32
      %dma_wait3A_100 = arith.constant 0 : i32
      %dma_wait3A_101 = tpu.memref_slice %arg10[%rem3A_68, %dma_wait3A_99, %dma_wait3A_100] : memref<2x256x32xf32, #tpu.memory_space<vmem>> -> memref<1x256x32xf32, #tpu.memory_space<vmem>>
      %dma_wait3A_102 = tpu.memref_squeeze %dma_wait3A_101 : memref<1x256x32xf32, #tpu.memory_space<vmem>> -> memref<256x32xf32, #tpu.memory_space<vmem>>
      %dma_wait3A_103 = arith.constant 0 : i32
      %dma_wait3A_104 = arith.constant 0 : i32
      %dma_wait3A_105 = tpu.memref_slice %arg5[%dma_wait3A_103, %dma_wait3A_104] : memref<200000x32xf32, #tpu.memory_space<hbm>> -> memref<256x32xf32, #tpu.memory_space<hbm>>
      %dma_wait3A_106 = tpu.memref_slice %arg13[%rem3A_68] : memref<2x!tpu.dma_semaphore, #tpu.memory_space<semaphore_mem>> -> memref<1x!tpu.dma_semaphore, #tpu.memory_space<semaphore_mem>>
      %dma_wait3A_107 = tpu.memref_squeeze %dma_wait3A_106 : memref<1x!tpu.dma_semaphore, #tpu.memory_space<semaphore_mem>> -> memref<!tpu.dma_semaphore, #tpu.memory_space<semaphore_mem>>
      %dma_wait3A_108 = arith.constant 0 : i32
      %dma_wait3A_109 = arith.constant 0 : i32
      %dma_wait3A_110 = tpu.memref_slice %arg10[%rem3A_68, %dma_wait3A_108, %dma_wait3A_109] : memref<2x256x32xf32, #tpu.memory_space<vmem>> -> memref<1x256x32xf32, #tpu.memory_space<vmem>>
      %dma_wait3A_111 = tpu.memref_squeeze %dma_wait3A_110 : memref<1x256x32xf32, #tpu.memory_space<vmem>> -> memref<256x32xf32, #tpu.memory_space<vmem>>
      %dma_wait3A_112 = arith.constant 0 : i32
      %dma_wait3A_113 = arith.constant 0 : i32
      %dma_wait3A_114 = tpu.memref_slice %arg5[%dma_wait3A_112, %dma_wait3A_113] : memref<200000x32xf32, #tpu.memory_space<hbm>> -> memref<256x32xf32, #tpu.memory_space<hbm>>
      tpu.wait_dma2 semaphore(%dma_wait3A_107 : memref<!tpu.dma_semaphore, #tpu.memory_space<semaphore_mem>>) src(%dma_wait3A_114 : memref<256x32xf32, #tpu.memory_space<hbm>>) dst(%dma_wait3A_111 : memref<256x32xf32, #tpu.memory_space<vmem>>)
      %scan3A_115 = arith.constant 0 : i32
      %scan3A_116 = arith.constant 0 : i32
      %scan3A_117 = arith.constant 16 : i32
      %scan3A_118 = arith.addi %scan3A_116, %scan3A_117 : i32
      %scan3A_119 = arith.constant 1 : i32
      %scan3A_120 = scf.for %scan3A_130 = %scan3A_116 to %scan3A_118 step %scan3A_119 iter_args(%scan3A_131 = %scan3A_115) -> (i32)  : i32 {
        %mul3A_132 = arith.constant 256 : i32
        %mul3A_133 = arith.muli %scan3A_65, %mul3A_132 : i32
        %mul3A_134 = arith.constant 16 : i32
        %mul3A_135 = arith.muli %scan3A_130, %mul3A_134 : i32
        %add3A_136 = arith.addi %mul3A_133, %mul3A_135 : i32
        %get3A = arith.index_cast %add3A_136 : i32 to index
        %get3A_137 = tpu.vector_load %arg8[%get3A] {strides = array<i32>} : memref<6400xi32, #tpu.memory_space<vmem>>, vector<16xi32>,
        %get3A_138 = vector.shape_cast %get3A_137 : vector<16xi32> to vector<16xi32>
        %mul3A_139 = arith.constant 256 : i32
        %mul3A_140 = arith.muli %scan3A_65, %mul3A_139 : i32
        %add3A_141 = arith.addi %mul3A_2, %mul3A_140 : i32
        %mul3A_142 = arith.constant 16 : i32
        %mul3A_143 = arith.muli %scan3A_130, %mul3A_142 : i32
        %add3A_144 = arith.addi %add3A_141, %mul3A_143 : i32
        %add3A_145 = vector.broadcast %add3A_144 : i32 to vector<16xi32>
        %add3A_146 = arith.addi %add3A_145, %iota3A : vector<16xi32>
        %lt3A_147 = arith.constant 800000 : i32
        %lt3A_148 = vector.broadcast %lt3A_147 : i32 to vector<16xi32>
        %lt3A_149 = arith.cmpi slt, %get3A_138, %lt3A_148 : vector<16xi32>
        %jit3A = arith.constant 204800 : i32
        %broadcast_in_dim3A = vector.broadcast %jit3A : i32 to vector<16xi32>
        %select_n3A = arith.select %lt3A_149, %add3A_146, %broadcast_in_dim3A : vector<16xi1>, vector<16xi32>
        %mul3A_150 = arith.constant 16 : i32
        %mul3A_151 = arith.muli %scan3A_130, %mul3A_150 : i32
        %dma_start3A = arith.constant 0 : i32
        %dma_start3A_152 = arith.constant 0 : i32
        %dma_start3A_153 = tpu.memref_slice %arg9[%rem3A_68, %dma_start3A, %dma_start3A_152] : memref<2x256x32xf32, #tpu.memory_space<vmem>> -> memref<1x256x32xf32, #tpu.memory_space<vmem>>
        %dma_start3A_154 = tpu.memref_squeeze %dma_start3A_153 : memref<1x256x32xf32, #tpu.memory_space<vmem>> -> memref<256x32xf32, #tpu.memory_space<vmem>>
        %dma_start3A_155 = arith.constant 0 : i32
        %dma_start3A_156 = tpu.memref_slice %dma_start3A_154[%mul3A_151, %dma_start3A_155] : memref<256x32xf32, #tpu.memory_space<vmem>> -> memref<16x32xf32, #tpu.memory_space<vmem>>
        %dma_start3A_157 = arith.constant 0 : i32
        %dma_start3A_158 = arith.constant 0 : i32
        %dma_start3A_159 = tpu.memref_slice %arg6[%dma_start3A_157, %dma_start3A_158] : memref<204808x32xf32, #tpu.memory_space<hbm>> -> memref<204808x32xf32, #tpu.memory_space<hbm>>
        %dma_start3A_160 = tpu.memref_slice %arg14[%rem3A_68] : memref<2x!tpu.dma_semaphore, #tpu.memory_space<semaphore_mem>> -> memref<1x!tpu.dma_semaphore, #tpu.memory_space<semaphore_mem>>
        %dma_start3A_161 = tpu.memref_squeeze %dma_start3A_160 : memref<1x!tpu.dma_semaphore, #tpu.memory_space<semaphore_mem>> -> memref<!tpu.dma_semaphore, #tpu.memory_space<semaphore_mem>>
        tpu.enqueue_indirect_dma source(%dma_start3A_156 : memref<16x32xf32, #tpu.memory_space<vmem>>) target(%dma_start3A_159 : memref<204808x32xf32, #tpu.memory_space<hbm>>) offsets(%select_n3A : vector<16xi32>) semaphore(%dma_start3A_161 : memref<!tpu.dma_semaphore, #tpu.memory_space<semaphore_mem>>)
        %scan3A_162 = arith.constant 0 : i32
        scf.yield %scan3A_162 : i32
      }
      %scan3A_121 = arith.constant 16 : i32
      %scan3A_122 = arith.constant 0 : i32
      %scan3A_123 = arith.constant 0 : i32
      %scan3A_124 = arith.constant 16 : i32
      %scan3A_125 = arith.addi %scan3A_123, %scan3A_124 : i32
      %scan3A_126 = arith.constant 1 : i32
      %scan3A_127 = scf.for %scan3A_130 = %scan3A_123 to %scan3A_125 step %scan3A_126 iter_args(%scan3A_131 = %scan3A_122) -> (i32)  : i32 {
        %mul3A_132 = arith.constant 256 : i32
        %mul3A_133 = arith.muli %scan3A_65, %mul3A_132 : i32
        %mul3A_134 = arith.constant 16 : i32
        %mul3A_135 = arith.muli %scan3A_130, %mul3A_134 : i32
        %add3A_136 = arith.addi %mul3A_133, %mul3A_135 : i32
        %get3A = arith.index_cast %add3A_136 : i32 to index
        %get3A_137 = tpu.vector_load %arg8[%get3A] {strides = array<i32>} : memref<6400xi32, #tpu.memory_space<vmem>>, vector<16xi32>,
        %get3A_138 = vector.shape_cast %get3A_137 : vector<16xi32> to vector<16xi32>
        %mul3A_139 = arith.constant 256 : i32
        %mul3A_140 = arith.muli %scan3A_65, %mul3A_139 : i32
        %add3A_141 = arith.addi %mul3A_2, %mul3A_140 : i32
        %mul3A_142 = arith.constant 16 : i32
        %mul3A_143 = arith.muli %scan3A_130, %mul3A_142 : i32
        %add3A_144 = arith.addi %add3A_141, %mul3A_143 : i32
        %add3A_145 = vector.broadcast %add3A_144 : i32 to vector<16xi32>
        %add3A_146 = arith.addi %add3A_145, %iota3A : vector<16xi32>
        %lt3A_147 = arith.constant 800000 : i32
        %lt3A_148 = vector.broadcast %lt3A_147 : i32 to vector<16xi32>
        %lt3A_149 = arith.cmpi slt, %get3A_138, %lt3A_148 : vector<16xi32>
        %jit3A = arith.constant 204800 : i32
        %broadcast_in_dim3A = vector.broadcast %jit3A : i32 to vector<16xi32>
        %select_n3A = arith.select %lt3A_149, %broadcast_in_dim3A, %add3A_146 : vector<16xi1>, vector<16xi32>
        %mul3A_150 = arith.constant 16 : i32
        %mul3A_151 = arith.muli %scan3A_130, %mul3A_150 : i32
        %dma_start3A = arith.constant 0 : i32
        %dma_start3A_152 = arith.constant 0 : i32
        %dma_start3A_153 = tpu.memref_slice %arg10[%rem3A_68, %dma_start3A, %dma_start3A_152] : memref<2x256x32xf32, #tpu.memory_space<vmem>> -> memref<1x256x32xf32, #tpu.memory_space<vmem>>
        %dma_start3A_154 = tpu.memref_squeeze %dma_start3A_153 : memref<1x256x32xf32, #tpu.memory_space<vmem>> -> memref<256x32xf32, #tpu.memory_space<vmem>>
        %dma_start3A_155 = arith.constant 0 : i32
        %dma_start3A_156 = tpu.memref_slice %dma_start3A_154[%mul3A_151, %dma_start3A_155] : memref<256x32xf32, #tpu.memory_space<vmem>> -> memref<16x32xf32, #tpu.memory_space<vmem>>
        %dma_start3A_157 = arith.constant 0 : i32
        %dma_start3A_158 = arith.constant 0 : i32
        %dma_start3A_159 = tpu.memref_slice %arg6[%dma_start3A_157, %dma_start3A_158] : memref<204808x32xf32, #tpu.memory_space<hbm>> -> memref<204808x32xf32, #tpu.memory_space<hbm>>
        %dma_start3A_160 = tpu.memref_slice %arg15[%rem3A_68] : memref<2x!tpu.dma_semaphore, #tpu.memory_space<semaphore_mem>> -> memref<1x!tpu.dma_semaphore, #tpu.memory_space<semaphore_mem>>
        %dma_start3A_161 = tpu.memref_squeeze %dma_start3A_160 : memref<1x!tpu.dma_semaphore, #tpu.memory_space<semaphore_mem>> -> memref<!tpu.dma_semaphore, #tpu.memory_space<semaphore_mem>>
        tpu.enqueue_indirect_dma source(%dma_start3A_156 : memref<16x32xf32, #tpu.memory_space<vmem>>) target(%dma_start3A_159 : memref<204808x32xf32, #tpu.memory_space<hbm>>) offsets(%select_n3A : vector<16xi32>) semaphore(%dma_start3A_161 : memref<!tpu.dma_semaphore, #tpu.memory_space<semaphore_mem>>)
        %scan3A_162 = arith.constant 0 : i32
        scf.yield %scan3A_162 : i32
      }
      %scan3A_128 = arith.constant 16 : i32
      %scan3A_129 = arith.constant 0 : i32
      scf.yield %scan3A_129 : i32
    }
    %scan3A_27 = arith.constant 25 : i32
    %rem3A = arith.constant 24 : i32
    %rem3A_28 = arith.constant 2 : i32
    %rem3A_29 = arith.remsi %rem3A, %rem3A_28 : i32
    %dma_wait3A_30 = arith.constant 0 : i32
    %dma_wait3A_31 = arith.constant 0 : i32
    %dma_wait3A_32 = tpu.memref_slice %arg9[%rem3A_29, %dma_wait3A_30, %dma_wait3A_31] : memref<2x256x32xf32, #tpu.memory_space<vmem>> -> memref<1x256x32xf32, #tpu.memory_space<vmem>>
    %dma_wait3A_33 = tpu.memref_squeeze %dma_wait3A_32 : memref<1x256x32xf32, #tpu.memory_space<vmem>> -> memref<256x32xf32, #tpu.memory_space<vmem>>
    %dma_wait3A_34 = arith.constant 0 : i32
    %dma_wait3A_35 = arith.constant 0 : i32
    %dma_wait3A_36 = tpu.memref_slice %arg6[%dma_wait3A_34, %dma_wait3A_35] : memref<204808x32xf32, #tpu.memory_space<hbm>> -> memref<256x32xf32, #tpu.memory_space<hbm>>
    %dma_wait3A_37 = tpu.memref_slice %arg14[%rem3A_29] : memref<2x!tpu.dma_semaphore, #tpu.memory_space<semaphore_mem>> -> memref<1x!tpu.dma_semaphore, #tpu.memory_space<semaphore_mem>>
    %dma_wait3A_38 = tpu.memref_squeeze %dma_wait3A_37 : memref<1x!tpu.dma_semaphore, #tpu.memory_space<semaphore_mem>> -> memref<!tpu.dma_semaphore, #tpu.memory_space<semaphore_mem>>
    %dma_wait3A_39 = arith.constant 0 : i32
    %dma_wait3A_40 = arith.constant 0 : i32
    %dma_wait3A_41 = tpu.memref_slice %arg6[%dma_wait3A_39, %dma_wait3A_40] : memref<204808x32xf32, #tpu.memory_space<hbm>> -> memref<256x32xf32, #tpu.memory_space<hbm>>
    %dma_wait3A_42 = arith.constant 0 : i32
    %dma_wait3A_43 = arith.constant 0 : i32
    %dma_wait3A_44 = tpu.memref_slice %arg9[%rem3A_29, %dma_wait3A_42, %dma_wait3A_43] : memref<2x256x32xf32, #tpu.memory_space<vmem>> -> memref<1x256x32xf32, #tpu.memory_space<vmem>>
    %dma_wait3A_45 = tpu.memref_squeeze %dma_wait3A_44 : memref<1x256x32xf32, #tpu.memory_space<vmem>> -> memref<256x32xf32, #tpu.memory_space<vmem>>
    tpu.wait_dma2 semaphore(%dma_wait3A_38 : memref<!tpu.dma_semaphore, #tpu.memory_space<semaphore_mem>>) src(%dma_wait3A_45 : memref<256x32xf32, #tpu.memory_space<vmem>>) dst(%dma_wait3A_41 : memref<256x32xf32, #tpu.memory_space<hbm>>)
    %rem3A_46 = arith.constant 24 : i32
    %rem3A_47 = arith.constant 2 : i32
    %rem3A_48 = arith.remsi %rem3A_46, %rem3A_47 : i32
    %dma_wait3A_49 = arith.constant 0 : i32
    %dma_wait3A_50 = arith.constant 0 : i32
    %dma_wait3A_51 = tpu.memref_slice %arg10[%rem3A_48, %dma_wait3A_49, %dma_wait3A_50] : memref<2x256x32xf32, #tpu.memory_space<vmem>> -> memref<1x256x32xf32, #tpu.memory_space<vmem>>
    %dma_wait3A_52 = tpu.memref_squeeze %dma_wait3A_51 : memref<1x256x32xf32, #tpu.memory_space<vmem>> -> memref<256x32xf32, #tpu.memory_space<vmem>>
    %dma_wait3A_53 = arith.constant 0 : i32
    %dma_wait3A_54 = arith.constant 0 : i32
    %dma_wait3A_55 = tpu.memref_slice %arg6[%dma_wait3A_53, %dma_wait3A_54] : memref<204808x32xf32, #tpu.memory_space<hbm>> -> memref<256x32xf32, #tpu.memory_space<hbm>>
    %dma_wait3A_56 = tpu.memref_slice %arg15[%rem3A_48] : memref<2x!tpu.dma_semaphore, #tpu.memory_space<semaphore_mem>> -> memref<1x!tpu.dma_semaphore, #tpu.memory_space<semaphore_mem>>
    %dma_wait3A_57 = tpu.memref_squeeze %dma_wait3A_56 : memref<1x!tpu.dma_semaphore, #tpu.memory_space<semaphore_mem>> -> memref<!tpu.dma_semaphore, #tpu.memory_space<semaphore_mem>>
    %dma_wait3A_58 = arith.constant 0 : i32
    %dma_wait3A_59 = arith.constant 0 : i32
    %dma_wait3A_60 = tpu.memref_slice %arg6[%dma_wait3A_58, %dma_wait3A_59] : memref<204808x32xf32, #tpu.memory_space<hbm>> -> memref<256x32xf32, #tpu.memory_space<hbm>>
    %dma_wait3A_61 = arith.constant 0 : i32
    %dma_wait3A_62 = arith.constant 0 : i32
    %dma_wait3A_63 = tpu.memref_slice %arg10[%rem3A_48, %dma_wait3A_61, %dma_wait3A_62] : memref<2x256x32xf32, #tpu.memory_space<vmem>> -> memref<1x256x32xf32, #tpu.memory_space<vmem>>
    %dma_wait3A_64 = tpu.memref_squeeze %dma_wait3A_63 : memref<1x256x32xf32, #tpu.memory_space<vmem>> -> memref<256x32xf32, #tpu.memory_space<vmem>>
    tpu.wait_dma2 semaphore(%dma_wait3A_57 : memref<!tpu.dma_semaphore, #tpu.memory_space<semaphore_mem>>) src(%dma_wait3A_64 : memref<256x32xf32, #tpu.memory_space<vmem>>) dst(%dma_wait3A_60 : memref<256x32xf32, #tpu.memory_space<hbm>>)
    return
  }
}

</mosaic_0001>

<sc_bundles>
// kernel: kernel.3.cloned.1.call-start
scs
__scs_entry_jumppad:
0x0: {  	(pc) =	sbr.rel $0x88, $3  }
0x1: {  	(tag) =	ssettag $0x0;
	lr =	simm.s32 $0x1  }
0x2: {  	[smem:$0x3F9D] =	sst lr;
	_ =	strace $0xD0000000  }
0x3: {  	_ = 	snop  }
0x4: {  	_ = 	snop  }
0x5: {  	_ = 	snop  }
0x6: {  	_ = 	snop  }
0x7: {  	_ = 	snop  }
__scs_overlays_trampoline_lowered:
0x8: {  	[smem:$0x3FAC] =	sst s0  }
0x9: {  	[smem:$0x3FAD] =	sst s1  }
0xa: {  	[smem:$0x3FAE] =	sst s2  }
0xb: {  	[smem:$0x3FAF] =	sst s3  }
0xc: {  	[smem:$0x3FB0] =	sst s4  }
0xd: {  	[smem:$0x3FB1] =	sst s5  }
0xe: {  	[smem:$0x3FB2] =	sst s6  }
0xf: {  	[smem:$0x3FB3] =	sst s7  }
0x10: {  	[smem:$0x3FB4] =	sst s8  }
0x11: {  	[smem:$0x3FB5] =	sst s9;
	s0 =	simm.s32 @!p0 $0x0  }
0x12: {  	s1 =	sld [smem:$0x3F9B];
	s0 =	simm.s32 @p0 $0x1  }
0x13: {  	[smem:$0x3FB6] =	sst s0;
	s0 =	simm.s32 @!p1 $0x0  }
0x14: {  	s2 =	sld [smem:$0x3F9A];
	s0 =	simm.s32 @p1 $0x1  }
0x15: {  	[smem:$0x3FB7] =	sst s0;
	s0 =	simm.s32 @!p2 $0x0  }
0x16: {  	s3 =	sld [smem:$0x3FDB];
	s0 =	simm.s32 @p2 $0x1  }
0x17: {  	s4 =	simm.s32 $0x1BF5;
	[smem:$0x3FB9] =	sst s0  }
0x18: {  	s0 =	sld [smem:$0x3F9C];
	_ =	swait.ge [sflag:s4], $0x0  }
0x19: {  	s7 =	sld [smem:$0x3F9D]  }
0x1a: {  	s8 =	sadd.s32 $0xFFFFE003, lr  }
0x1b: {  	s9 =	sadd.s32 $0xFFFFFEF7, lr;
	s5 =	simm.s32 $0xFFFFFFFF;
	p2 =	slt.u32 s8, $0xFFFFF086  }
0x1c: {  	p1 =	slt.u32 s9, $0xF7A;
	s5 =	simm.s32 @!p2 $0x0  }
0x1d: {  	s5 =	simm.s32 @p1 $0x1;
	p0 =	seq.s32 s7, s2  }
0x1e: {  	s7 =	smul.u32 @!p0 $0xF7A, s2;
	p2 =	seq.s32 @!p0 s5, $0x0  }
0x1f: {  	s9 =	smul.u32 $0xF7A, s1;
	s8 =	simm.s32 @!p0 $0x1BF5;
	p2 =	por !p2, p0  }
0x20: {  	[sflag:s8] =	ssyncset.s32 @!p0 $0xFFFFF086;
	s6 =	sadd.s32 @!p0 s3, s7;
	s7 =	simm.s32 @!p0 $0x108  }
0x21: {  	s3 =	sadd.s32 s3, s9;
	s6 =	sadd.s32 @!p0 $0x88, s6;
	s7 =	simm.s32 @p2 $0x1082  }
0x22: {  	[simem:s7], [sflag:s8] =	dma.local @!p0 [hbm:s6], $0xF7A  }
0x23: {  	s9 =	sor.u32 $0xD0000000, s2;
	s6 =	simm.s32 $0x108;
	_ =	swait.ge @!p0 [sflag:s8], $0x0  }
0x24: {  	s3 =	sadd.s32 $0x88, s3;
	s6 =	simm.s32 @!p1 $0x1082;
	[sflag:s4] =	ssyncset.s32 $0xFFFFF086  }
0x25: {  	[simem:s6], [sflag:s4] =	dma.local [hbm:s3], $0xF7A  }
0x26: {  	[smem:$0x3F9D] =	sst s1;
	(tag) =	ssettag s2;
	_ =	strace s9  }
0x27: {  	s1 =	sld [smem:$0x3FAD]  }
0x28: {  	s2 =	sld [smem:$0x3FAE]  }
0x29: {  	s4 =	sld [smem:$0x3FB0]  }
0x2a: {  	p0 =	seq.s32 s5, $0x0;
	s5 =	sld [smem:$0x3FB1]  }
0x2b: {  	s6 =	sld [smem:$0x3FB2]  }
0x2c: {  	s7 =	sld [smem:$0x3FB3]  }
0x2d: {  	s3 =	simm.s32 $0x108;
	s8 =	sld [smem:$0x3FB4]  }
0x2e: {  	s3 =	simm.s32 @!p0 $0x1082;
	s9 =	sld [smem:$0x3FB5]  }
0x2f: {  	lr =	sadd.s32 s0, s3;
	s0 =	sld [smem:$0x3FAC]  }
0x30: {  	s3 =	sld [smem:$0x3FAF]  }
0x31: {  	[smem:$0x3FB8] =	sst s10  }
0x32: {  	s10 =	sld [smem:$0x3FB6];
	_ =	sdelay $0x3  }
0x33: {  	p0 =	seq.s32 s10, $0x1;
	s10 =	sld [smem:$0x3FB8];
	_ =	sdelay $0x3  }
0x34: {  	[smem:$0x3FB8] =	sst s10  }
0x35: {  	s10 =	sld [smem:$0x3FB7];
	_ =	sdelay $0x3  }
0x36: {  	p1 =	seq.s32 s10, $0x1;
	s10 =	sld [smem:$0x3FB8];
	_ =	sdelay $0x3  }
0x37: {  	[smem:$0x3FB8] =	sst s10  }
0x38: {  	s10 =	sld [smem:$0x3FB9]  }
0x39: {  	_ = 	snop;
	(pc) =	sbr.ind lr, $3  }
0x3a: {  	_ = 	snop  }
0x3b: {  	_ = 	snop  }
0x3c: {  	p2 =	seq.s32 s10, $0x1;
	s10 =	sld [smem:$0x3FB8]  }
0x3d: {  	_ =	shalt  }
0x3e: {  	_ =	shalt  }
0x3f: {  	_ =	shalt  }
0x40: {  	_ =	shalt  }
0x41: {  	_ =	shalt  }
0x42: {  	_ =	shalt  }
0x43: {  	_ =	shalt  }
0x44: {  	_ =	shalt  }
0x45: {  	_ =	shalt  }
0x46: {  	_ =	shalt  }
0x47: {  	_ =	shalt  }
0x48: {  	_ =	shalt  }
0x49: {  	_ =	shalt  }
0x4a: {  	_ =	shalt  }
0x4b: {  	_ =	shalt  }
0x4c: {  	_ =	shalt  }
0x4d: {  	_ =	shalt  }
0x4e: {  	_ =	shalt  }
0x4f: {  	_ =	shalt  }
0x50: {  	_ =	shalt  }
0x51: {  	_ =	shalt  }
0x52: {  	_ =	shalt  }
0x53: {  	_ =	shalt  }
0x54: {  	_ =	shalt  }
0x55: {  	_ =	shalt  }
0x56: {  	_ =	shalt  }
0x57: {  	_ =	shalt  }
0x58: {  	_ =	shalt  }
0x59: {  	_ =	shalt  }
0x5a: {  	_ =	shalt  }
0x5b: {  	_ =	shalt  }
0x5c: {  	_ =	shalt  }
0x5d: {  	_ =	shalt  }
0x5e: {  	_ =	shalt  }
0x5f: {  	_ =	shalt  }
0x60: {  	_ =	shalt  }
0x61: {  	_ =	shalt  }
0x62: {  	_ =	shalt  }
0x63: {  	_ =	shalt  }
0x64: {  	_ =	shalt  }
0x65: {  	_ =	shalt  }
0x66: {  	_ =	shalt  }
0x67: {  	_ =	shalt  }
0x68: {  	_ =	shalt  }
0x69: {  	_ =	shalt  }
0x6a: {  	_ =	shalt  }
0x6b: {  	_ =	shalt  }
0x6c: {  	_ =	shalt  }
0x6d: {  	_ =	shalt  }
0x6e: {  	_ =	shalt  }
0x6f: {  	_ =	shalt  }
0x70: {  	_ =	shalt  }
0x71: {  	_ =	shalt  }
0x72: {  	_ =	shalt  }
0x73: {  	_ =	shalt  }
0x74: {  	_ =	shalt  }
0x75: {  	_ =	shalt  }
0x76: {  	_ =	shalt  }
0x77: {  	_ =	shalt  }
0x78: {  	_ =	shalt  }
0x79: {  	_ =	shalt  }
0x7a: {  	_ =	shalt  }
0x7b: {  	_ =	shalt  }
0x7c: {  	_ =	shalt  }
0x7d: {  	_ =	shalt  }
0x7e: {  	_ =	shalt  }
0x7f: {  	_ =	shalt  }
0x80: {  	_ =	shalt  }
0x81: {  	_ =	shalt  }
0x82: {  	_ =	shalt  }
0x83: {  	_ =	shalt  }
0x84: {  	_ =	shalt  }
0x85: {  	_ =	shalt  }
0x86: {  	_ =	shalt  }
0x87: {  	_ =	shalt  }
.Lfunc_end0:
.L_simem_size_0:
called_computation_lowered:
.L_overlay_start_0:
0x88: {  	s2 =	sld [smem:$0x3FD9]  }
0x89: {  	s3 =	sld [smem:$0x3FFE];
	_ =	sdelay $0x1  }
0x8a: {  	s1 =	srdreg.scid  }
0x8b: {  	s0 =	sand.u32 $0x1, s1  }
0x8c: {  	s17 =	sshll.u32 s0, $0xA;
	s2 =	sadd.s32 s3, s2  }
0x8d: {  	s2 =	sadd.s32 s2, s17  }
0x8e: {  	[smem:$0x3FC4] =	sst s2  }
0x8f: {  	_ = 	snop  }
0x90: {  	s2 =	sld [smem:$0x3FC8]  }
0x91: {  	s18 =	sld [smem:$0x3FD0];
	(tm) =	ssettm $0x1  }
0x92: {  	s4 =	sld [smem:$0x3FFB];
	_ =	sdelay $0x3  }
0x93: {  	_ =	strace s4  }
0x94: {  	s4 =	sld [smem:$0x3FFC];
	_ =	sdelay $0x3  }
0x95: {  	_ =	strace s4  }
0x96: {  	s4 =	sld [smem:$0x3FFD];
	_ =	sdelay $0x3  }
0x97: {  	_ =	strace s4  }
0x98: {  	_ =	strace $0x8FFFFFFF  }
0x99: {  	s19 =	sld [smem:$0x3FDB];
	_ =	sdelay $0x1  }
0x9a: {  	s5 =	simm.s32 $_scs_section_size  }
0x9b: {  	s6 =	simm.s32 $_size__tile_overlayer_lowered;
	s7 =	simm.s32 $_tile_overlayer_lowered  }
0x9c: {  	s22 =	simm.s32 $0x1BFF;
	s21 =	sshll.u32 s7, $0x1;
	s4 =	sadd.s32 s5, s19  }
0x9d: {  	s8 =	simm.s32 $0x0;
	s20 =	sshll.u32 s6, $0x1;
	s6 =	sadd.s32 s21, s4  }
0x9e: {  	[timem:s8], [sflag:s22] =	dma.local [hbm:s6], s20  }
0x9f: {  	_ =	swait.ge [sflag:s22], s20  }
0xa0: {  	s5 =	ssub.s32 $0x0, s20;
	[sflag:s22] =	ssyncset.done $0x0  }
0xa1: {  	[sflag:s22] =	ssyncadd.s32 s5;
	_ =	sdelay $0x1  }
0xa2: {  	s23 =	simm.s32 $0x1B8B  }
0xa3: {  	_ =	swait.ge [sflag:s23], $0x1  }
0xa4: {  	[sflag:s23] =	ssyncset.done $0x0  }
0xa5: {  	s25 =	simm.s32 $0x1B8E;
	s24 =	sld [smem:$0x3FFE];
	[sflag:s23] =	ssyncadd.s32 $0xFFFFFFFF  }
0xa6: {  	s26 =	simm.s32 $execute0_lowered;
	[smem:$0x3FD2] =	sst s25  }
0xa7: {  	s6 =	sshll.u32 s26, $0x1;
	_ =	strace $0x80000046;
	[dreg:$0x1] =	wrdreg $0xFFFFFFFF  }
0xa8: {  	s28 =	simm.s32 $_size_execute0_lowered;
	s4 =	sadd.s32 s4, s6;
	[dreg:$0x0] =	wrdreg $0x0  }
0xa9: {  	s6 =	sshll.u32 s28, $0x1;
	[dreg:$0x2] =	wrdreg s4  }
0xaa: {  	[dreg:$0x3] =	wrdreg s6  }
0xab: {  	[dreg:$0x4] =	wrdreg $0xC0  }
0xac: {  	_ =	task [dreg:s8], $0x5FFFF  }
0xad: {  	[dreg:$0x1] =	wrdreg $0xFFFFFFFF  }
0xae: {  	[dreg:$0x0] =	wrdreg $0x60  }
0xaf: {  	[dreg:$0x2] =	wrdreg s24  }
0xb0: {  	[dreg:$0x3] =	wrdreg s2  }
0xb1: {  	[dreg:$0x4] =	wrdreg s18  }
0xb2: {  	[dreg:$0x5] =	wrdreg $0xB2000  }
0xb3: {  	[dreg:$0x6] =	wrdreg $0x9  }
0xb4: {  	_ =	task.clear_ibuf [dreg:s8], $0x7FFFF;
	_ =	strace $0x90000046  }
0xb5: {  	s29 =	simm.s32 $0x9;
	_ =	strace $0x80000048  }
0xb6: {  	_ =	swait.ge [sflag:s29], $0x1  }
0xb7: {  	[sflag:s29] =	ssyncadd.s32 $0xFFFFFFFF  }
0xb8: {  	_ =	strace $0x90000048  }
0xb9: {  	_ =	sfence  }
0xba: {  	s30 =	sld [smem:$0x0];
	_ =	sdelay $0x2  }
0xbb: {  	s31 =	sshll.u32 s1, $0xD;
	s1 =	sshrl.u32 s1, $0x2  }
0xbc: {  	s3 =	sand.u32 $0x4000, s31;
	s1 =	sadd.s32 s1, s30  }
0xbd: {  	s0 =	sor.u32 s3, s0;
	s1 =	sshll.u32 s1, $0x11  }
0xbe: {  	s0 =	sor.u32 s1, s0  }
0xbf: {  	s0 =	sadd.s32 $0x8F2B, s0  }
0xc0: {  	[sflag:s0] =	ssyncadd.remote.s32 $0x1  }
0xc1: {  	_ =	sfence.sel $0xFFFF  }
0xc2: {  	[dreg:$0x0] =	wrdreg $0xFFFFFFFF;
	(pc) =	sbr.abs _section_cstart, $3  }
0xc3: {  	[dreg:$0x1] =	wrdreg $0xFFFFFFFF  }
0xc4: {  	_ =	task.clear_ibuf [dreg:s8], $0x2FFFF;
	_ =	strace $0x9FFFFFFF  }
0xc5: {  	(tm) =	ssettm $0x7FFFFFFF  }
tec
execute0_lowered:
.L_overlay_start_1:
0x0: {  	(tag) =	ssettag $0x1  }
0x1: {  	s6 =	rddreg [dreg:$0x0]  }
0x2: {  	s0 =	rddreg [dreg:$0x1]  }
0x3: {  	s1 =	srdreg.scid;
	s2 =	rddreg [dreg:$0x2]  }
0x4: {  	s10 =	stileid.u32;
	s3 =	rddreg [dreg:$0x3]  }
0x5: {  	s4 =	simm.s32 $0x0;
	s14 =	simm.s32 $0x6;
	s15 =	simm.s32 $0x0  }
0x6: {  	s7 =	sand.u32 $0x1, s1;
	s31 =	sshll.u32 s10, $0x1;
	s1 =	rddreg [dreg:$0x4]  }
0x7: {  	[smem:$0x7FF] =	sst s4;
	s11 =	smul.u32 $0x3200, s10;
	s5 =	sor.u32 s7, s31  }
0x8: {  	p0 =	sne.s32 s10, $0x0;
	s9 =	ssub.s32 $0x2, s7;
	s5 =	smul.u32 $0x1900, s5  }
0x9: {  	_ =	strace $0x80000047;
	s13 =	smul.u32 $0x1900, s7;
	s12 =	sshrl.u32 s9, $0x1  }
0xa: {  	s10 =	sshrl.u32 @!p0 s3, $0x3;
	s9 =	ssub.s32 s9, s12;
	s5 =	sshrl.u32 s5, $0x3  }
0xb: {  	s12 =	simm.s32 $0x1;
	s8 =	sadd.s32 s5, s6;
	s5 =	sadd.s32 $0xC35800, s6  }
0xc: {  	s6 =	sadd.s32 $0x6C00, s6;
	s7 =	sadd.s32 $0x800, s8;
	s8 =	smax.u32 s9, $0x1  }
0xd: {  	vm0 =	vmmov $0xffff;
	v0 =	vlaneseq.u32;
	s9 =	sadd.s32 s13, s11;
	s11 =	simm.s32 $0x8;
	s13 =	simm.s32 $0x4  }
.LBB2_1:
0xe: {  	s16 =	simm.s32 @!p0 $0x1C08  }
0xf: {  	[spmem:s10], [sflag:s16] =	dma.local @!p0 [hbm:s0], $0x1E848  }
0x10: {  	s16 =	simm.s32 @!p0 $0x8  }
0x11: {  	_ =	swait.ge @!p0 [sflag:s16], $0x1E848  }
0x12: {  	[sflag:s16] =	ssyncset.done @!p0 $0x0  }
0x13: {  	[sflag:s16] =	ssyncadd.s32 @!p0 $0xFFFE17B8  }
0x14: {  	[tilespmem:s4], [sflag:$0x8] =	stream.linear.gather [hbm4b:s7+s4], $0x1900, $0x38;
	[tilespmem:$0x1A628] =	vst v63  }
0x15: {  	_ =	swait.ge [sflag:s11], $0x1900  }
0x16: {  	[sflag:s11] =	ssyncset.done $0x0  }
0x17: {  	[sflag:s11] =	ssyncadd.s32 $0xFFFFE700  }
0x18: {  	s16 =	simm.s32 $0x0;
	[bflag:$0x0] =	sbarrier.arrive $0xFFFF  }
0x19: {  	s17 =	simm.s32 $0x40;
	v1 =	vld [tilespmem:s16+$0x0]  }
.LBB2_2:
0x1a: {  	p1 =	sne.s32 s17, $0x63C0;
	_ =	sdelay $0x3  }
.Ltmp0:
0x1b: {  	(pc) =	sbr.rel @p1 .LBB2_2-.Ltmp0, $4  }
0x1c: {  	_ = 	snop  }
0x1d: {  	s18 =	sadd.s32 $0x1900, s16;
	s16 =	sshra.s32 s17, $0x2  }
0x1e: {  	[tilespmem:s18], [sflag:$0x1] =	stream.indirect_vreg.gather [spmem:s3], $0x1, v1, vm0, $0xb8;
	[tilespmem:$0x1A628] =	vst v63  }
0x1f: {  	s17 =	sadd.s32 $0x40, s17;
	v1 =	vld [tilespmem:s16+$0x0]  }
0x20: {  	_ =	sdelay $0x6  }
0x21: {  	s16 =	sadd.s32 $0x1900, s16  }
0x22: {  	[tilespmem:s16], [sflag:$0x1] =	stream.indirect_vreg.gather [spmem:s3], $0x1, v1, vm0, $0xb8;
	[tilespmem:$0x1A628] =	vst v63  }
0x23: {  	_ =	swait.ge [sflag:s12], $0x1900  }
0x24: {  	s20 =	simm.s32 $0x0;
	s17 =	simm.s32 $0x1900;
	[sflag:s12] =	ssyncset.done $0x0  }
0x25: {  	s18 =	simm.s32 $0x0;
	s16 =	simm.s32 $0x1900;
	[sflag:s12] =	ssyncadd.s32 $0xFFFFE700  }
.LBB2_4:
0x26: {  	v1 =	vld [tilespmem:s17+$0x0];
	_ =	sdelay $0x4  }
0x27: {  	vm1 =	vlt.s32 v1, $0xC3500  }
0x28: {  	v2 =	vnsel vm1, $0x0, v1  }
0x29: {  	v1 =	vsel vm1, $0xC3500, v1  }
0x2a: {  	p1 =	seq.s32 s18, $0x7800;
	v1 =	vadd.s32 $0xFFF3CB00, v1  }
.Ltmp1:
0x2b: {  	s19 =	sshra.s32 s18, $0x2;
	(pc) =	sbr.rel @!p1 .LBB2_4-.Ltmp1, $4  }
0x2c: {  	s21 =	sadd.s32 $0x3200, s19  }
0x2d: {  	[tilespmem:s21], [sflag:$0x2] =	stream.indirect_vreg.gather [hbm4b:s5+s20], $0x20, v2, vm0, $0xb8;
	[tilespmem:$0x1A628] =	vst v63  }
0x2e: {  	s17 =	sadd.s32 $0x10, s17;
	s18 =	sadd.s32 $0x800, s18;
	s19 =	sadd.s32 $0x7200, s19  }
0x2f: {  	[tilespmem:s19], [sflag:$0x2] =	stream.indirect_vreg.gather [hbm4b:s2+s20], $0x20, v1, vm0, $0xb8;
	[tilespmem:$0x1A628] =	vst v63  }
0x30: {  	p1 =	por $0x1, $0x1  }
0x31: {  	s17 =	simm.s32 $0x1A00;
	p2 =	por $0x0, $0x0;
	s18 =	smov.u32 s9  }
.LBB2_7:
0x32: {  	s19 =	sadd.s32 $0x1, s20  }
0x33: {  	p3 =	seq.s32 s20, $0x0;
	s22 =	sand.u32 $0x1, s19  }
0x34: {  	p4 =	seq.s32 @!p3 s20, $0x18;
	s21 =	sor.u32 @!p3 $0x4, s22  }
0x35: {  	p4 =	por p3, !p4;
	_ =	swait.ge @!p3 [sflag:s21], $0x2000  }
.Ltmp2:
0x36: {  	[sflag:s21] =	ssyncset.done @!p3 $0x0;
	(pc) =	sbr.rel @!p4 .LBB2_11-.Ltmp2, $4  }
0x37: {  	[sflag:s21] =	ssyncadd.s32 @!p3 $0xFFFFE000;
	s21 =	sor.u32 @!p3 $0x6, s22  }
0x38: {  	_ =	swait.ge @!p3 [sflag:s21], $0x2000  }
0x39: {  	[sflag:s21] =	ssyncset.done @!p3 $0x0  }
0x3a: {  	[sflag:s21] =	ssyncadd.s32 @!p3 $0xFFFFE000  }
0x3b: {  	s21 =	simm.s32 $0x1  }
0x3c: {  	s22 =	sor.u32 $0x2, s22;
	s21 =	simm.s32 @!p1 $0x0  }
0x3d: {  	s24 =	simm.s32 $0x0;
	s25 =	simm.s32 $0x800;
	s23 =	sshll.u32 s21, $0xD  }
0x3e: {  	v1 =	vld [tilespmem:s17+$0x0];
	s26 =	smov.u32 s17;
	s21 =	sadd.s32 $0x7200, s23;
	s23 =	sadd.s32 $0x3200, s23  }
.LBB2_9:
0x3f: {  	p3 =	sne.s32 s25, $0x7800;
	_ =	sdelay $0x3  }
0x40: {  	vm1 =	vlt.s32 v1, $0xC3500  }
0x41: {  	v2 =	vnsel vm1, $0x0, v1;
	v1 =	vsel vm1, $0xC3500, v1;
	_ =	sdelay $0x1  }
0x42: {  	v1 =	vadd.s32 $0xFFF3CB00, v1  }
0x43: {  	s28 =	sshra.s32 s24, $0x2;
	s24 =	smov.u32 s25  }
.Ltmp3:
0x44: {  	s29 =	sadd.s32 s28, s23;
	(pc) =	sbr.rel @p3 .LBB2_9-.Ltmp3, $4  }
0x45: {  	[tilespmem:s29], [sflag:s22] =	stream.indirect_vreg.gather [hbm4b:s5+s4], $0x20, v2, vm0, $0xb8;
	[tilespmem:$0x1A628] =	vst v63  }
0x46: {  	s26 =	sadd.s32 $0x10, s26;
	s28 =	sadd.s32 s28, s21  }
0x47: {  	[tilespmem:s28], [sflag:s22] =	stream.indirect_vreg.gather [hbm4b:s2+s4], $0x20, v1, vm0, $0xb8;
	[tilespmem:$0x1A628] =	vst v63  }
0x48: {  	s25 =	sadd.s32 $0x800, s25;
	v1 =	vld [tilespmem:s26+$0x0]  }
0x49: {  	_ =	sdelay $0x3  }
0x4a: {  	vm1 =	vlt.s32 v1, $0xC3500  }
0x4b: {  	v2 =	vnsel vm1, $0x0, v1  }
0x4c: {  	v1 =	vsel vm1, $0xC3500, v1  }
0x4d: {  	v1 =	vadd.s32 $0xFFF3CB00, v1  }
0x4e: {  	s24 =	sshra.s32 s24, $0x2  }
0x4f: {  	s23 =	sadd.s32 s24, s23  }
0x50: {  	[tilespmem:s23], [sflag:s22] =	stream.indirect_vreg.gather [hbm4b:s5+s4], $0x20, v2, vm0, $0xb8;
	[tilespmem:$0x1A628] =	vst v63  }
0x51: {  	s21 =	sadd.s32 s24, s21  }
0x52: {  	[tilespmem:s21], [sflag:s22] =	stream.indirect_vreg.gather [hbm4b:s2+s4], $0x20, v1, vm0, $0xb8;
	[tilespmem:$0x1A628] =	vst v63  }
.LBB2_11:
0x53: {  	s21 =	sand.u32 $0x1, s20  }
0x54: {  	s23 =	sor.u32 $0x2, s21  }
0x55: {  	_ =	swait.ge [sflag:s23], $0x2000  }
0x56: {  	v1 =	vmov s16;
	[sflag:s23] =	ssyncset.done $0x0  }
0x57: {  	[sflag:s23] =	ssyncadd.s32 $0xFFFFE000  }
0x58: {  	_ =	swait.ge [sflag:s23], $0x2000  }
0x59: {  	[sflag:s23] =	ssyncset.done $0x0  }
0x5a: {  	s24 =	simm.s32 $0x0;
	[sflag:s23] =	ssyncadd.s32 $0xFFFFE000  }
0x5b: {  	v3 =	vld.idx.msk [tilespmem:v1+s24+$0x0 ss:$0x1], $0xffff;
	_ =	sdelay $0x4  }
0x5c: {  	v2 =	vor.u32 s18, v0;
	vm1 =	vlt.s32 v3, $0xC3500  }
0x5d: {  	v3 =	vnsel vm1, $0x32000, v2  }
0x5e: {  	s20 =	simm.s32 $0x1  }
0x5f: {  	s20 =	simm.s32 @!p2 $0x0  }
0x60: {  	s31 =	simm.s32 $0x10;
	s22 =	sshll.u32 s20, $0xD  }
0x61: {  	s20 =	sadd.s32 $0x7200, s22;
	s22 =	sadd.s32 $0x3200, s22;
	s23 =	sor.u32 $0x4, s21  }
0x62: {  	[hbm4b:s6+s4] =	stream.indirect_vreg.scatter [tilespmem:s22], [sflag:s23], $0x20, v3, vm0, $0xb8;
	[tilespmem:$0x1A628] =	vst v63  }
0x63: {  	s25 =	simm.s32 $0x80;
	s24 =	smov.u32 s18;
	v3 =	vld.idx.msk [tilespmem:v1+s31+$0x0 ss:$0x1], $0xffff  }
.LBB2_12:
0x64: {  	p3 =	seq.s32 s25, $0x3C0;
	_ =	sdelay $0x3  }
0x65: {  	s24 =	sadd.s32 $0x10, s24  }
0x66: {  	v4 =	vor.u32 s24, v0;
	vm1 =	vlt.s32 v3, $0xC3500  }
0x67: {  	v3 =	vnsel vm1, $0x32000, v4;
	_ =	sdelay $0x1  }
.Ltmp4:
0x68: {  	(pc) =	sbr.rel @!p3 .LBB2_12-.Ltmp4, $4  }
0x69: {  	_ = 	snop  }
0x6a: {  	s26 =	sshra.s32 s25, $0x2;
	s22 =	sadd.s32 $0x200, s22  }
0x6b: {  	[hbm4b:s6+s4] =	stream.indirect_vreg.scatter [tilespmem:s22], [sflag:s23], $0x20, v3, vm0, $0xb8;
	[tilespmem:$0x1A628] =	vst v63  }
0x6c: {  	s25 =	sadd.s32 $0x40, s25;
	v3 =	vld.idx.msk [tilespmem:v1+s26+$0x0 ss:$0x1], $0xffff  }
0x6d: {  	_ =	sdelay $0x2  }
0x6e: {  	s24 =	sadd.s32 $0x10, s24  }
0x6f: {  	v4 =	vor.u32 s24, v0;
	vm1 =	vlt.s32 v3, $0xC3500  }
0x70: {  	v3 =	vnsel vm1, $0x32000, v4;
	_ =	sdelay $0x3  }
0x71: {  	s22 =	sadd.s32 $0x200, s22;
	s30 =	simm.s32 $0x0  }
0x72: {  	[hbm4b:s6+s4] =	stream.indirect_vreg.scatter [tilespmem:s22], [sflag:s23], $0x20, v3, vm0, $0xb8;
	[tilespmem:$0x1A628] =	vst v63  }
0x73: {  	v3 =	vld.idx.msk [tilespmem:v1+s30+$0x0 ss:$0x1], $0xffff;
	_ =	sdelay $0x4  }
0x74: {  	vm1 =	vlt.s32 v3, $0xC3500  }
0x75: {  	v2 =	vsel vm1, $0x32000, v2;
	_ =	sdelay $0x3  }
0x76: {  	s21 =	sor.u32 $0x6, s21;
	s31 =	simm.s32 $0x10  }
0x77: {  	[hbm4b:s6+s4] =	stream.indirect_vreg.scatter [tilespmem:s20], [sflag:s21], $0x20, v2, vm0, $0xb8;
	[tilespmem:$0x1A628] =	vst v63  }
0x78: {  	s23 =	simm.s32 $0x80;
	s22 =	smov.u32 s18;
	v2 =	vld.idx.msk [tilespmem:v1+s31+$0x0 ss:$0x1], $0xffff  }
.LBB2_14:
0x79: {  	p3 =	seq.s32 s23, $0x3C0;
	_ =	sdelay $0x3  }
0x7a: {  	s22 =	sadd.s32 $0x10, s22  }
0x7b: {  	v3 =	vor.u32 s22, v0;
	vm1 =	vlt.s32 v2, $0xC3500  }
0x7c: {  	v2 =	vsel vm1, $0x32000, v3;
	_ =	sdelay $0x1  }
.Ltmp5:
0x7d: {  	(pc) =	sbr.rel @!p3 .LBB2_14-.Ltmp5, $4  }
0x7e: {  	_ = 	snop  }
0x7f: {  	s24 =	sshra.s32 s23, $0x2;
	s20 =	sadd.s32 $0x200, s20  }
0x80: {  	[hbm4b:s6+s4] =	stream.indirect_vreg.scatter [tilespmem:s20], [sflag:s21], $0x20, v2, vm0, $0xb8;
	[tilespmem:$0x1A628] =	vst v63  }
0x81: {  	s23 =	sadd.s32 $0x40, s23;
	v2 =	vld.idx.msk [tilespmem:v1+s24+$0x0 ss:$0x1], $0xffff  }
0x82: {  	_ =	sdelay $0x2  }
0x83: {  	s22 =	sadd.s32 $0x10, s22  }
0x84: {  	v1 =	vor.u32 s22, v0;
	vm1 =	vlt.s32 v2, $0xC3500  }
0x85: {  	v1 =	vsel vm1, $0x32000, v1;
	_ =	sdelay $0x3  }
0x86: {  	s20 =	sadd.s32 $0x200, s20  }
0x87: {  	[hbm4b:s6+s4] =	stream.indirect_vreg.scatter [tilespmem:s20], [sflag:s21], $0x20, v1, vm0, $0xb8;
	[tilespmem:$0x1A628] =	vst v63  }
0x88: {  	p3 =	seq.s32 s19, $0x19  }
.Ltmp6:
0x89: {  	_ = 	snop;
	(pc) =	sbr.rel @!p3 .LBB2_7-.Ltmp6, $3  }
0x8a: {  	_ =	sdelay $0x1  }
0x8b: {  	p1 =	por !p1, !p1;
	s17 =	sadd.s32 $0x100, s17;
	p2 =	por !p2, !p2  }
0x8c: {  	s18 =	sadd.s32 $0x100, s18;
	s16 =	sadd.s32 $0x100, s16;
	s20 =	smov.u32 s19  }
0x8d: {  	s15 =	sadd.s32 $0x1, s15  }
0x8e: {  	_ =	swait.ge [sflag:s13], $0x2000;
	p1 =	sne.s32 s15, s8  }
.Ltmp7:
0x8f: {  	[sflag:s13] =	ssyncset.done $0x0;
	(pc) =	sbr.rel @p1 .LBB2_1-.Ltmp7, $4  }
0x90: {  	[sflag:s13] =	ssyncadd.s32 $0xFFFFE000  }
0x91: {  	_ =	swait.ge [sflag:s14], $0x2000  }
0x92: {  	[sflag:s14] =	ssyncset.done $0x0  }
0x93: {  	[sflag:s14] =	ssyncadd.s32 $0xFFFFE000  }
0x94: {  	_ =	sfence.sel $0x180000  }
0x95: {  	[bflag:$0x0] =	sbarrier.arrive $0xFFFF  }
0x96: {  	_ =	strace $0x90000047  }
0x97: {  	s0 =	sadd.s32 @!p0 $0x100000, s1;
	[bflag:$0x2] =	sbarrier.arrive $0xFFFF  }
0x98: {  	[sflag:s0] =	ssyncadd.tile.s32 @!p0 $0x1;
	_ =	shalt  }
.Lfunc_end2:
_tile_overlayer_lowered:
.L_overlay_start_2:
0x99: {  	(tag) =	ssettag $0x2  }
0x9a: {  	s0 =	rddreg [dreg:$0x0];
	s2 =	stileid.u32  }
0x9b: {  	s1 =	rddreg [dreg:$0x1];
	p0 =	sne.s32 s2, $0x0  }
0x9c: {  	s3 =	rddreg [dreg:$0x2];
	[bflag:$0x3] =	sbarrier.arrive $0xFFFF;
	s2 =	simm.s32 @!p0 $0x1C08  }
0x9d: {  	[timem:s3], [sflag:s2] =	dma.local @!p0 [hbm:s0], s1  }
0x9e: {  	s0 =	simm.s32 @!p0 $0x8  }
0x9f: {  	_ =	swait.ge @!p0 [sflag:s0], s1  }
0xa0: {  	s1 =	ssub.s32 @!p0 $0x0, s1;
	[sflag:s0] =	ssyncset.done @!p0 $0x0  }
0xa1: {  	[sflag:s0] =	ssyncadd.s32 @!p0 s1  }
0xa2: {  	[bflag:$0x3] =	sbarrier.arrive $0xFFFF  }
0xa3: {  	_ =	shalt  }

</sc_bundles>
